<compile_context>
chip_gen: v7x
topology: tpu7x:2x2x1
jax: 0.10.2.dev20260603
libtpu: 0.0.44.dev20260713+nightly
codegen_flags: <defaults>
</compile_context>

<pallas_src>
import functools

import jax
import jax.numpy as jnp
from jax import lax
from jax.experimental import pallas as pl
from jax.experimental.pallas import tpu as pltpu
from jax.experimental.pallas import tpu_sc as plsc

_V = 8192
_D = 32
_B = 4096
_BETA = 0.25
_ROWS = 512

_NC = 2
_NS = 16
_NW = _NC * _NS
_BPW = _B // _NW



def _argmin_body(z_ref, w_ref, idx_ref, wpad_ref):
    zt = z_ref[...]
    w = w_ref[...]
    t2 = lax.dot_general(-2.0 * zt, w, (((1,), (1,)), ((), ())),
                         preferred_element_type=jnp.float32)
    zsq = jnp.sum(zt * zt, axis=1, keepdims=True)
    wsq = jnp.sum(w * w, axis=1)
    d = (zsq + wsq[None, :]) + t2
    minval = jnp.min(d, axis=1, keepdims=True)
    js = lax.broadcasted_iota(jnp.int32, d.shape, 1)
    idx = jnp.min(jnp.where(d == minval, js, _V), axis=1)
    idx_ref[0, 0, :] = idx.astype(jnp.int32)

    @pl.when(pl.program_id(0) == 0)
    def _():
        wpad_ref[:, 0:_D] = w


def _argmin_call(z_flat, W):
    nblocks = _B // _ROWS
    out, wpad = pl.pallas_call(
        _argmin_body,
        grid=(nblocks,),
        in_specs=[pl.BlockSpec((_ROWS, _D), lambda i: (i, 0)),
                  pl.BlockSpec((_V, _D), lambda i: (0, 0))],
        out_specs=[pl.BlockSpec((1, 1, _ROWS), lambda i: (i, 0, 0)),
                   pl.BlockSpec((_V, 128), lambda i: (0, 0))],
        out_shape=[jax.ShapeDtypeStruct((nblocks, 1, _ROWS), jnp.int32),
                   jax.ShapeDtypeStruct((_V, 128), jnp.float32)],
    )(z_flat, W)
    return out.reshape(-1), wpad



def _sc_body(w_hbm, idx_hbm, z_hbm, ones_hbm, zeros_hbm,
             zq_hbm, counts_hbm,
             idx_v, rows_v, z_v, ones_v, hist_sh, sem):
    cid = lax.axis_index("c")
    sid = lax.axis_index("s")
    wid = sid * _NC + cid
    base = wid * _BPW

    pltpu.sync_copy(idx_hbm.at[pl.ds(base, _BPW)], idx_v)
    gather = pltpu.async_copy(w_hbm.at[idx_v], rows_v, sem)
    pltpu.sync_copy(z_hbm.at[pl.ds(base, _BPW)], z_v)
    pltpu.sync_copy(ones_hbm, ones_v)

    @pl.when(sid == 0)
    def _():
        pltpu.sync_copy(zeros_hbm, hist_sh)

    gather.wait()
    plsc.subcore_barrier()

    pltpu.sync_copy(ones_v, hist_sh.at[idx_v], add=True)

    def _rows(r, carry):
        for h in range(_D // 16):
            zv = z_v[r, pl.ds(h * 16, 16)]
            wv = rows_v[r, pl.ds(h * 16, 16)]
            z_v[r, pl.ds(h * 16, 16)] = zv + (wv - zv)
        return carry
    lax.fori_loop(0, _BPW, _rows, 0)

    pltpu.sync_copy(z_v, zq_hbm.at[pl.ds(base, _BPW)])

    plsc.subcore_barrier()

    @pl.when(sid == 0)
    def _():
        pltpu.sync_copy(hist_sh, counts_hbm.at[cid])


def _sc_call(W, idx, z_flat, ones, zeros):
    mesh = plsc.VectorSubcoreMesh(core_axis_name="c", subcore_axis_name="s")
    f = pl.kernel(
        _sc_body,
        out_type=[jax.ShapeDtypeStruct((_B, _D), jnp.float32),
                  jax.ShapeDtypeStruct((_NC, _V), jnp.float32)],
        mesh=mesh,
        scratch_types=[
            pltpu.VMEM((_BPW,), jnp.int32),
            pltpu.VMEM((_BPW, 128), jnp.float32),
            pltpu.VMEM((_BPW, _D), jnp.float32),
            pltpu.VMEM((_BPW,), jnp.float32),
            pltpu.VMEM_SHARED((_V,), jnp.float32),
            pltpu.SemaphoreType.DMA,
        ],
    )
    return f(W, idx, z_flat, ones, zeros)



def _stats_body(z_ref, w_ref, zq_ref, c_ref, loss_ref, perp_ref, md_ref):
    z = z_ref[...]
    w = w_ref[...]
    q = zq_ref[...]
    diff = q - z
    m = jnp.sum(diff * diff) * (1.0 / (_B * _D))
    loss_ref[...] = (m + _BETA * m).reshape(1, 1)

    szsq = jnp.sum(z * z)
    swsq = jnp.sum(w * w)
    sz = jnp.sum(z, axis=0)
    sw = jnp.sum(w, axis=0)
    md_ref[...] = (szsq * (1.0 / _B) + swsq * (1.0 / _V)
                   - 2.0 * jnp.sum(sz * sw) * (1.0 / (_B * _V))).reshape(1, 1)

    cs = c_ref[0:1, :] + c_ref[1:2, :]
    e = cs * (1.0 / _B)
    ent = jnp.sum(e * jnp.log(e + 1e-10))
    perp_ref[...] = jnp.exp(-ent).reshape(1, 1)


def _stats_call(z_flat, W, zq, counts):
    outs = pl.pallas_call(
        _stats_body,
        out_shape=[jax.ShapeDtypeStruct((1, 1), jnp.float32),
                   jax.ShapeDtypeStruct((1, 1), jnp.float32),
                   jax.ShapeDtypeStruct((1, 1), jnp.float32)],
    )(z_flat, W, zq, counts)
    return outs[0][0, 0], outs[1][0, 0], outs[2][0, 0]



def kernel(z, W):
    zp = jnp.transpose(z, (0, 2, 3, 1))
    z_flat = zp.reshape(_B, _D)
    idx, W_pad = _argmin_call(z_flat, W)

    ones = jnp.ones((_BPW,), jnp.float32)
    zeros = jnp.zeros((_V,), jnp.float32)
    zq_flat, counts = _sc_call(W_pad, idx, z_flat, ones, zeros)

    loss, perp, mean_d = _stats_call(z_flat, W, zq_flat, counts)

    z_q_out = jnp.transpose(zq_flat.reshape(zp.shape), (0, 3, 1, 2))
    return (z_q_out, loss, perp, idx, mean_d)

# --- scband reference (transcript-rebuilt; emitter-appended) ---
"""Pipeline reference for scband-vector-quantizer-3186865733634 (READ-ONLY COPY).

The authoritative reference and input builder live on the scoring server;
editing this copy changes nothing except your own understanding.
"""

import jax, jax.numpy as jnp
import numpy as np

CODEBOOK_SIZE = 8192
EMB_DIM = 32
BETA = 0.25


def setup_inputs(seed: int = 0) -> dict:
    key = jax.random.key(seed)
    k1, k2 = jax.random.split(key)
    z = jax.random.normal(k1, (4, EMB_DIM, 32, 32), dtype=jnp.float32)
    W = jax.random.uniform(
        k2, (CODEBOOK_SIZE, EMB_DIM), dtype=jnp.float32,
        minval=-1.0 / CODEBOOK_SIZE, maxval=1.0 / CODEBOOK_SIZE)
    return {"z": z, "W": W}


def reference(z, W):
    # z: [B, C, H, W] -> [B, H, W, C]
    z_p = jnp.transpose(z, (0, 2, 3, 1))
    z_flat = z_p.reshape(-1, EMB_DIM)
    d = ((z_flat ** 2).sum(axis=1, keepdims=True)
         + (W ** 2).sum(axis=1)
         - 2.0 * z_flat @ W.T)
    mean_distance = jnp.mean(d)
    min_encoding_indices = jnp.argmin(d, axis=1)
    # one-hot scatter (scatter_ with ones)
    min_encodings = jax.nn.one_hot(min_encoding_indices, CODEBOOK_SIZE, dtype=z.dtype)
    z_q = (min_encodings @ W).reshape(z_p.shape)
    loss = (jnp.mean((jax.lax.stop_gradient(z_q) - z_p) ** 2)
            + BETA * jnp.mean((z_q - jax.lax.stop_gradient(z_p)) ** 2))
    # straight-through estimator
    z_q = z_p + jax.lax.stop_gradient(z_q - z_p)
    e_mean = jnp.mean(min_encodings, axis=0)
    perplexity = jnp.exp(-jnp.sum(e_mean * jnp.log(e_mean + 1e-10)))
    z_q_out = jnp.transpose(z_q, (0, 3, 1, 2))
    return (z_q_out, loss, perplexity, min_encoding_indices, mean_distance)

if __name__ == "__main__":
    import jax
    _d = setup_inputs()
    print(jax.jit(kernel)(*tuple(_d.values())))

</pallas_src>

<mosaic_0001>
#map = affine_map<(d0, d1) -> (0, 0)>
#map1 = affine_map<(d0, d1) -> (0)>
module attributes {stable_mosaic.version = 14 : i64} {
  func.func @_sc_body(%arg0: i32, %arg1: i32, %arg2: memref<8192x128xf32, #tpu.memory_space<hbm>>, %arg3: memref<4096xi32, #tpu.memory_space<hbm>>, %arg4: memref<4096x32xf32, #tpu.memory_space<hbm>>, %arg5: memref<128xf32, #tpu.memory_space<hbm>>, %arg6: memref<8192xf32, #tpu.memory_space<hbm>>, %arg7: memref<4096x32xf32, #tpu.memory_space<hbm>>, %arg8: memref<2x8192xf32, #tpu.memory_space<hbm>>, %arg9: memref<128xi32, #tpu.memory_space<vmem>>, %arg10: memref<128x128xf32, #tpu.memory_space<vmem>>, %arg11: memref<128x32xf32, #tpu.memory_space<vmem>>, %arg12: memref<128xf32, #tpu.memory_space<vmem>>, %arg13: memref<8192xf32, #tpu.memory_space<vmem_shared>>, %arg14: memref<!tpu.dma_semaphore, #tpu.memory_space<semaphore_mem>>) attributes {dimension_semantics = [#tpu.dimension_semantics<core_parallel>, #tpu.dimension_semantics<subcore_parallel>], iteration_bounds = array<i64: 2, 16>, scalar_prefetch = 0 : i64, scratch_operands = 6 : i64, tpu.core_type = #tpu.core_type<sc_vector_subcore>, window_params = [{transform_indices = #map}, {transform_indices = #map1}, {transform_indices = #map}, {transform_indices = #map1}, {transform_indices = #map1}, {transform_indices = #map}, {transform_indices = #map}]} {
    %mul3A = arith.constant 2 : i32
    %mul3A_0 = arith.muli %arg1, %mul3A : i32
    %add3A = arith.addi %mul3A_0, %arg0 : i32
    %mul3A_1 = arith.constant 128 : i32
    %mul3A_2 = arith.muli %add3A, %mul3A_1 : i32
    "tpu.region"() ({
      %run_scoped3A = tpu.sem_alloc : memref<!tpu.dma_semaphore, #tpu.memory_space<semaphore_mem>>
      %dma_start3A_20 = tpu.memref_slice %arg3[%mul3A_2] : memref<4096xi32, #tpu.memory_space<hbm>> -> memref<128xi32, #tpu.memory_space<hbm>>
      %dma_start3A_21 = tpu.memref_slice %arg3[%mul3A_2] : memref<4096xi32, #tpu.memory_space<hbm>> -> memref<128xi32, #tpu.memory_space<hbm>>
      tpu.enqueue_dma source(%dma_start3A_21 : memref<128xi32, #tpu.memory_space<hbm>>) target(%arg9 : memref<128xi32, #tpu.memory_space<vmem>>) target_semaphore(%run_scoped3A : memref<!tpu.dma_semaphore, #tpu.memory_space<semaphore_mem>>)
      %dma_wait3A_22 = tpu.memref_slice %arg3[%mul3A_2] : memref<4096xi32, #tpu.memory_space<hbm>> -> memref<128xi32, #tpu.memory_space<hbm>>
      %dma_wait3A_23 = tpu.memref_slice %arg3[%mul3A_2] : memref<4096xi32, #tpu.memory_space<hbm>> -> memref<128xi32, #tpu.memory_space<hbm>>
      tpu.wait_dma2 semaphore(%run_scoped3A : memref<!tpu.dma_semaphore, #tpu.memory_space<semaphore_mem>>) src(%dma_wait3A_23 : memref<128xi32, #tpu.memory_space<hbm>>) dst(%arg9 : memref<128xi32, #tpu.memory_space<vmem>>)
      tpu.yield
    }) : () -> ()
    %dma_start3A = arith.constant 0 : i32
    %dma_start3A_3 = arith.constant 0 : i32
    %dma_start3A_4 = tpu.memref_slice %arg2[%dma_start3A, %dma_start3A_3] : memref<8192x128xf32, #tpu.memory_space<hbm>> -> memref<8192x128xf32, #tpu.memory_space<hbm>>
    tpu.enqueue_indirect_dma source(%dma_start3A_4 : memref<8192x128xf32, #tpu.memory_space<hbm>>) target(%arg10 : memref<128x128xf32, #tpu.memory_space<vmem>>) offsets(%arg9 : memref<128xi32, #tpu.memory_space<vmem>>) semaphore(%arg14 : memref<!tpu.dma_semaphore, #tpu.memory_space<semaphore_mem>>)
    "tpu.region"() ({
      %run_scoped3A = tpu.sem_alloc : memref<!tpu.dma_semaphore, #tpu.memory_space<semaphore_mem>>
      %dma_start3A_20 = arith.constant 0 : i32
      %dma_start3A_21 = tpu.memref_slice %arg4[%mul3A_2, %dma_start3A_20] : memref<4096x32xf32, #tpu.memory_space<hbm>> -> memref<128x32xf32, #tpu.memory_space<hbm>>
      %dma_start3A_22 = arith.constant 0 : i32
      %dma_start3A_23 = tpu.memref_slice %arg4[%mul3A_2, %dma_start3A_22] : memref<4096x32xf32, #tpu.memory_space<hbm>> -> memref<128x32xf32, #tpu.memory_space<hbm>>
      tpu.enqueue_dma source(%dma_start3A_23 : memref<128x32xf32, #tpu.memory_space<hbm>>) target(%arg11 : memref<128x32xf32, #tpu.memory_space<vmem>>) target_semaphore(%run_scoped3A : memref<!tpu.dma_semaphore, #tpu.memory_space<semaphore_mem>>)
      %dma_wait3A_24 = arith.constant 0 : i32
      %dma_wait3A_25 = tpu.memref_slice %arg4[%mul3A_2, %dma_wait3A_24] : memref<4096x32xf32, #tpu.memory_space<hbm>> -> memref<128x32xf32, #tpu.memory_space<hbm>>
      %dma_wait3A_26 = arith.constant 0 : i32
      %dma_wait3A_27 = tpu.memref_slice %arg4[%mul3A_2, %dma_wait3A_26] : memref<4096x32xf32, #tpu.memory_space<hbm>> -> memref<128x32xf32, #tpu.memory_space<hbm>>
      tpu.wait_dma2 semaphore(%run_scoped3A : memref<!tpu.dma_semaphore, #tpu.memory_space<semaphore_mem>>) src(%dma_wait3A_27 : memref<128x32xf32, #tpu.memory_space<hbm>>) dst(%arg11 : memref<128x32xf32, #tpu.memory_space<vmem>>)
      tpu.yield
    }) : () -> ()
    "tpu.region"() ({
      %run_scoped3A = tpu.sem_alloc : memref<!tpu.dma_semaphore, #tpu.memory_space<semaphore_mem>>
      tpu.enqueue_dma source(%arg5 : memref<128xf32, #tpu.memory_space<hbm>>) target(%arg12 : memref<128xf32, #tpu.memory_space<vmem>>) target_semaphore(%run_scoped3A : memref<!tpu.dma_semaphore, #tpu.memory_space<semaphore_mem>>)
      tpu.wait_dma2 semaphore(%run_scoped3A : memref<!tpu.dma_semaphore, #tpu.memory_space<semaphore_mem>>) src(%arg5 : memref<128xf32, #tpu.memory_space<hbm>>) dst(%arg12 : memref<128xf32, #tpu.memory_space<vmem>>)
      tpu.yield
    }) : () -> ()
    %eq3A = arith.constant 0 : i32
    %eq3A_5 = arith.cmpi eq, %arg1, %eq3A : i32
    %convert_element_type3A = arith.extui %eq3A_5 : i1 to i32
    %cond3A = arith.constant 0 : i32
    %cond3A_6 = arith.cmpi ne, %convert_element_type3A, %cond3A : i32
    scf.if %cond3A_6 {
      "tpu.region"() ({
        %run_scoped3A = tpu.sem_alloc : memref<!tpu.dma_semaphore, #tpu.memory_space<semaphore_mem>>
        tpu.enqueue_dma source(%arg6 : memref<8192xf32, #tpu.memory_space<hbm>>) target(%arg13 : memref<8192xf32, #tpu.memory_space<vmem_shared>>) target_semaphore(%run_scoped3A : memref<!tpu.dma_semaphore, #tpu.memory_space<semaphore_mem>>)
        tpu.wait_dma2 semaphore(%run_scoped3A : memref<!tpu.dma_semaphore, #tpu.memory_space<semaphore_mem>>) src(%arg6 : memref<8192xf32, #tpu.memory_space<hbm>>) dst(%arg13 : memref<8192xf32, #tpu.memory_space<vmem_shared>>)
        tpu.yield
      }) : () -> ()
    } else {
    }
    %dma_wait3A = arith.constant 0 : i32
    %dma_wait3A_7 = arith.constant 0 : i32
    %dma_wait3A_8 = tpu.memref_slice %arg2[%dma_wait3A, %dma_wait3A_7] : memref<8192x128xf32, #tpu.memory_space<hbm>> -> memref<8192x128xf32, #tpu.memory_space<hbm>>
    tpu.wait_indirect_dma semaphore(%arg14 : memref<!tpu.dma_semaphore, #tpu.memory_space<semaphore_mem>>) src(%dma_wait3A_8 : memref<8192x128xf32, #tpu.memory_space<hbm>>) dst(%arg10 : memref<128x128xf32, #tpu.memory_space<vmem>>)
    %barrier3A = arith.constant 0 : index
    tpu.barrier barrier_id(%barrier3A)
    "tpu.region"() ({
      %run_scoped3A = tpu.sem_alloc : memref<!tpu.dma_semaphore, #tpu.memory_space<semaphore_mem>>
      %dma_start3A_20 = arith.constant 0 : i32
      %dma_start3A_21 = tpu.memref_slice %arg13[%dma_start3A_20] : memref<8192xf32, #tpu.memory_space<vmem_shared>> -> memref<8192xf32, #tpu.memory_space<vmem_shared>>
      tpu.enqueue_indirect_dma source(%arg12 : memref<128xf32, #tpu.memory_space<vmem>>) target(%dma_start3A_21 : memref<8192xf32, #tpu.memory_space<vmem_shared>>) offsets(%arg9 : memref<128xi32, #tpu.memory_space<vmem>>) semaphore(%run_scoped3A : memref<!tpu.dma_semaphore, #tpu.memory_space<semaphore_mem>>) {add = true}
      %dma_wait3A_22 = arith.constant 0 : i32
      %dma_wait3A_23 = tpu.memref_slice %arg13[%dma_wait3A_22] : memref<8192xf32, #tpu.memory_space<vmem_shared>> -> memref<8192xf32, #tpu.memory_space<vmem_shared>>
      tpu.wait_indirect_dma semaphore(%run_scoped3A : memref<!tpu.dma_semaphore, #tpu.memory_space<semaphore_mem>>) src(%arg12 : memref<128xf32, #tpu.memory_space<vmem>>) dst(%dma_wait3A_23 : memref<8192xf32, #tpu.memory_space<vmem_shared>>)
      tpu.yield
    }) : () -> ()
    %scan3A = arith.constant 0 : i32
    %scan3A_9 = arith.constant 0 : i32
    %scan3A_10 = arith.constant 128 : i32
    %scan3A_11 = arith.addi %scan3A_9, %scan3A_10 : i32
    %scan3A_12 = arith.constant 1 : i32
    scf.for %scan3A_20 = %scan3A_9 to %scan3A_11 step %scan3A_12  : i32 {
      %get3A = arith.index_cast %scan3A_20 : i32 to index
      %get3A_21 = arith.constant 0 : index
      %get3A_22 = tpu.vector_load %arg11[%get3A, %get3A_21] {strides = array<i32>} : memref<128x32xf32, #tpu.memory_space<vmem>>, vector<1x16xf32>,
      %get3A_23 = vector.shape_cast %get3A_22 : vector<1x16xf32> to vector<16xf32>
      %get3A_24 = arith.index_cast %scan3A_20 : i32 to index
      %get3A_25 = arith.constant 0 : index
      %get3A_26 = tpu.vector_load %arg10[%get3A_24, %get3A_25] {strides = array<i32>} : memref<128x128xf32, #tpu.memory_space<vmem>>, vector<1x16xf32>,
      %get3A_27 = vector.shape_cast %get3A_26 : vector<1x16xf32> to vector<16xf32>
      %sub3A = arith.subf %get3A_27, %get3A_23 : vector<16xf32>
      %add3A_28 = arith.addf %get3A_23, %sub3A : vector<16xf32>
      %swap3A = arith.index_cast %scan3A_20 : i32 to index
      %swap3A_29 = arith.constant 0 : index
      %swap3A_30 = tpu.vector_load %arg11[%swap3A, %swap3A_29] {strides = array<i32>} : memref<128x32xf32, #tpu.memory_space<vmem>>, vector<1x16xf32>,
      %swap3A_31 = vector.shape_cast %swap3A_30 : vector<1x16xf32> to vector<16xf32>
      %swap3A_32 = vector.shape_cast %add3A_28 : vector<16xf32> to vector<1x16xf32>
      tpu.vector_store %arg11[%swap3A, %swap3A_29], %swap3A_32 {strides = array<i32>} : memref<128x32xf32, #tpu.memory_space<vmem>>, vector<1x16xf32>,
      %get3A_33 = arith.index_cast %scan3A_20 : i32 to index
      %get3A_34 = arith.constant 16 : index
      %get3A_35 = tpu.vector_load %arg11[%get3A_33, %get3A_34] {strides = array<i32>} : memref<128x32xf32, #tpu.memory_space<vmem>>, vector<1x16xf32>,
      %get3A_36 = vector.shape_cast %get3A_35 : vector<1x16xf32> to vector<16xf32>
      %get3A_37 = arith.index_cast %scan3A_20 : i32 to index
      %get3A_38 = arith.constant 16 : index
      %get3A_39 = tpu.vector_load %arg10[%get3A_37, %get3A_38] {strides = array<i32>} : memref<128x128xf32, #tpu.memory_space<vmem>>, vector<1x16xf32>,
      %get3A_40 = vector.shape_cast %get3A_39 : vector<1x16xf32> to vector<16xf32>
      %sub3A_41 = arith.subf %get3A_40, %get3A_36 : vector<16xf32>
      %add3A_42 = arith.addf %get3A_36, %sub3A_41 : vector<16xf32>
      %swap3A_43 = arith.index_cast %scan3A_20 : i32 to index
      %swap3A_44 = arith.constant 16 : index
      %swap3A_45 = tpu.vector_load %arg11[%swap3A_43, %swap3A_44] {strides = array<i32>} : memref<128x32xf32, #tpu.memory_space<vmem>>, vector<1x16xf32>,
      %swap3A_46 = vector.shape_cast %swap3A_45 : vector<1x16xf32> to vector<16xf32>
      %swap3A_47 = vector.shape_cast %add3A_42 : vector<16xf32> to vector<1x16xf32>
      tpu.vector_store %arg11[%swap3A_43, %swap3A_44], %swap3A_47 {strides = array<i32>} : memref<128x32xf32, #tpu.memory_space<vmem>>, vector<1x16xf32>,
    }
    %scan3A_13 = arith.constant 128 : i32
    "tpu.region"() ({
      %run_scoped3A = tpu.sem_alloc : memref<!tpu.dma_semaphore, #tpu.memory_space<semaphore_mem>>
      %dma_start3A_20 = arith.constant 0 : i32
      %dma_start3A_21 = tpu.memref_slice %arg7[%mul3A_2, %dma_start3A_20] : memref<4096x32xf32, #tpu.memory_space<hbm>> -> memref<128x32xf32, #tpu.memory_space<hbm>>
      %dma_start3A_22 = arith.constant 0 : i32
      %dma_start3A_23 = tpu.memref_slice %arg7[%mul3A_2, %dma_start3A_22] : memref<4096x32xf32, #tpu.memory_space<hbm>> -> memref<128x32xf32, #tpu.memory_space<hbm>>
      tpu.enqueue_dma source(%arg11 : memref<128x32xf32, #tpu.memory_space<vmem>>) target(%dma_start3A_23 : memref<128x32xf32, #tpu.memory_space<hbm>>) target_semaphore(%run_scoped3A : memref<!tpu.dma_semaphore, #tpu.memory_space<semaphore_mem>>)
      %dma_wait3A_24 = arith.constant 0 : i32
      %dma_wait3A_25 = tpu.memref_slice %arg7[%mul3A_2, %dma_wait3A_24] : memref<4096x32xf32, #tpu.memory_space<hbm>> -> memref<128x32xf32, #tpu.memory_space<hbm>>
      %dma_wait3A_26 = arith.constant 0 : i32
      %dma_wait3A_27 = tpu.memref_slice %arg7[%mul3A_2, %dma_wait3A_26] : memref<4096x32xf32, #tpu.memory_space<hbm>> -> memref<128x32xf32, #tpu.memory_space<hbm>>
      tpu.wait_dma2 semaphore(%run_scoped3A : memref<!tpu.dma_semaphore, #tpu.memory_space<semaphore_mem>>) src(%arg11 : memref<128x32xf32, #tpu.memory_space<vmem>>) dst(%dma_wait3A_27 : memref<128x32xf32, #tpu.memory_space<hbm>>)
      tpu.yield
    }) : () -> ()
    %barrier3A_14 = arith.constant 0 : index
    tpu.barrier barrier_id(%barrier3A_14)
    %eq3A_15 = arith.constant 0 : i32
    %eq3A_16 = arith.cmpi eq, %arg1, %eq3A_15 : i32
    %convert_element_type3A_17 = arith.extui %eq3A_16 : i1 to i32
    %cond3A_18 = arith.constant 0 : i32
    %cond3A_19 = arith.cmpi ne, %convert_element_type3A_17, %cond3A_18 : i32
    scf.if %cond3A_19 {
      "tpu.region"() ({
        %run_scoped3A = tpu.sem_alloc : memref<!tpu.dma_semaphore, #tpu.memory_space<semaphore_mem>>
        %dma_start3A_20 = arith.constant 0 : i32
        %dma_start3A_21 = tpu.memref_slice %arg8[%arg0, %dma_start3A_20] : memref<2x8192xf32, #tpu.memory_space<hbm>> -> memref<1x8192xf32, #tpu.memory_space<hbm>>
        %dma_start3A_22 = tpu.memref_squeeze %dma_start3A_21 : memref<1x8192xf32, #tpu.memory_space<hbm>> -> memref<8192xf32, #tpu.memory_space<hbm>>
        tpu.enqueue_dma source(%arg13 : memref<8192xf32, #tpu.memory_space<vmem_shared>>) target(%dma_start3A_22 : memref<8192xf32, #tpu.memory_space<hbm>>) target_semaphore(%run_scoped3A : memref<!tpu.dma_semaphore, #tpu.memory_space<semaphore_mem>>)
        %dma_wait3A_23 = arith.constant 0 : i32
        %dma_wait3A_24 = tpu.memref_slice %arg8[%arg0, %dma_wait3A_23] : memref<2x8192xf32, #tpu.memory_space<hbm>> -> memref<1x8192xf32, #tpu.memory_space<hbm>>
        %dma_wait3A_25 = tpu.memref_squeeze %dma_wait3A_24 : memref<1x8192xf32, #tpu.memory_space<hbm>> -> memref<8192xf32, #tpu.memory_space<hbm>>
        tpu.wait_dma2 semaphore(%run_scoped3A : memref<!tpu.dma_semaphore, #tpu.memory_space<semaphore_mem>>) src(%arg13 : memref<8192xf32, #tpu.memory_space<vmem_shared>>) dst(%dma_wait3A_25 : memref<8192xf32, #tpu.memory_space<hbm>>)
        tpu.yield
      }) : () -> ()
    } else {
    }
    return
  }
}

module attributes {stable_mosaic.version = 14 : i64} {
  func.func @_argmin_body(%arg0: i32, %arg1: memref<512x32xf32, #tpu.memory_space<vmem>>, %arg2: memref<8192x32xf32, #tpu.memory_space<vmem>>, %arg3: memref<1x1x512xi32, #tpu.memory_space<vmem>>, %arg4: memref<8192x128xf32, #tpu.memory_space<vmem>>) attributes {dimension_semantics = [#tpu.dimension_semantics<arbitrary>], iteration_bounds = array<i64: 8>, scalar_prefetch = 0 : i64, scratch_operands = 0 : i64, tpu.core_type = #tpu.core_type<tc>, window_params = [{transform_indices = @transform_0, window_bounds = array<i64: 512, 32>}, {pipeline_mode = #tpu.pipeline_mode<synchronous>, transform_indices = @transform_1, window_bounds = array<i64: 8192, 32>}, {transform_indices = @transform_2, window_bounds = array<i64: 1, 1, 512>}, {pipeline_mode = #tpu.pipeline_mode<synchronous>, transform_indices = @transform_3, window_bounds = array<i64: 8192, 128>}]} {
    %get3A = arith.constant 0 : index
    %get3A_0 = arith.constant 0 : index
    %get3A_1 = vector.load %arg1[%get3A, %get3A_0] : memref<512x32xf32, #tpu.memory_space<vmem>>, vector<512x32xf32>
    %get3A_2 = arith.constant 0 : index
    %get3A_3 = arith.constant 0 : index
    %get3A_4 = vector.load %arg2[%get3A_2, %get3A_3] : memref<8192x32xf32, #tpu.memory_space<vmem>>, vector<8192x32xf32>
    %mul3A = arith.constant -2.000000e+00 : f32
    %mul3A_5 = vector.broadcast %mul3A : f32 to vector<512x32xf32>
    %mul3A_6 = arith.mulf %mul3A_5, %get3A_1 : vector<512x32xf32>
    %dot_general3A = arith.constant dense<0.000000e+00> : vector<512x8192xf32>
    %dot_general3A_7 = tpu.matmul %mul3A_6, %get3A_4, %dot_general3A {dimension_numbers = #tpu.dot_dimension_numbers<[1], [1], [0], [0], [0, 0, 1, 0], [], []>, transpose_lhs_hint = false} : vector<512x32xf32>, vector<8192x32xf32>, vector<512x8192xf32> -> vector<512x8192xf32>
    %mul3A_8 = arith.mulf %get3A_1, %get3A_1 : vector<512x32xf32>
    %reduce_sum3A = arith.constant dense<0.000000e+00> : vector<512xf32>
    %reduce_sum3A_9 = vector.multi_reduction <add>, %mul3A_8, %reduce_sum3A [1] : vector<512x32xf32> to vector<512xf32>
    %broadcast_in_dim3A = vector.shape_cast %reduce_sum3A_9 : vector<512xf32> to vector<512x1xf32>
    %mul3A_10 = arith.mulf %get3A_4, %get3A_4 : vector<8192x32xf32>
    %reduce_sum3A_11 = arith.constant dense<0.000000e+00> : vector<8192xf32>
    %reduce_sum3A_12 = vector.multi_reduction <add>, %mul3A_10, %reduce_sum3A_11 [1] : vector<8192x32xf32> to vector<8192xf32>
    %broadcast_in_dim3A_13 = vector.shape_cast %reduce_sum3A_12 : vector<8192xf32> to vector<1x8192xf32>
    %add3A = vector.broadcast %broadcast_in_dim3A : vector<512x1xf32> to vector<512x8192xf32>
    %add3A_14 = vector.broadcast %broadcast_in_dim3A_13 : vector<1x8192xf32> to vector<512x8192xf32>
    %add3A_15 = arith.addf %add3A, %add3A_14 : vector<512x8192xf32>
    %add3A_16 = arith.addf %add3A_15, %dot_general3A_7 : vector<512x8192xf32>
    %reduce_min3A = arith.constant dense<0x7F800000> : vector<512xf32>
    %reduce_min3A_17 = vector.multi_reduction <minimumf>, %add3A_16, %reduce_min3A [1] : vector<512x8192xf32> to vector<512xf32>
    %broadcast_in_dim3A_18 = vector.shape_cast %reduce_min3A_17 : vector<512xf32> to vector<512x1xf32>
    %iota3A = tpu.iota {dimensions = array<i32: 1>} : vector<512x8192xi32>
    %eq3A = vector.broadcast %broadcast_in_dim3A_18 : vector<512x1xf32> to vector<512x8192xf32>
    %eq3A_19 = arith.cmpf oeq, %add3A_16, %eq3A : vector<512x8192xf32>
    %jit3A = arith.constant 8192 : i32
    %broadcast_in_dim3A_20 = vector.broadcast %jit3A : i32 to vector<512x8192xi32>
    %select_n3A = arith.select %eq3A_19, %iota3A, %broadcast_in_dim3A_20 : vector<512x8192xi1>, vector<512x8192xi32>
    %reduce_min3A_21 = arith.constant dense<2147483647> : vector<512xi32>
    %reduce_min3A_22 = vector.multi_reduction <minsi>, %select_n3A, %reduce_min3A_21 [1] : vector<512x8192xi32> to vector<512xi32>
    %swap3A = arith.constant 0 : index
    %swap3A_23 = arith.constant 0 : index
    %swap3A_24 = arith.constant 0 : index
    %swap3A_25 = vector.load %arg3[%swap3A, %swap3A_23, %swap3A_24] : memref<1x1x512xi32, #tpu.memory_space<vmem>>, vector<1x1x512xi32>
    %swap3A_26 = vector.shape_cast %swap3A_25 : vector<1x1x512xi32> to vector<512xi32>
    %swap3A_27 = vector.shape_cast %reduce_min3A_22 : vector<512xi32> to vector<1x1x512xi32>
    tpu.vector_store %arg3[%swap3A, %swap3A_23, %swap3A_24], %swap3A_27 {strides = array<i32>} : memref<1x1x512xi32, #tpu.memory_space<vmem>>, vector<1x1x512xi32>,
    %eq3A_28 = arith.constant 0 : i32
    %eq3A_29 = arith.cmpi eq, %arg0, %eq3A_28 : i32
    %convert_element_type3A = arith.extui %eq3A_29 : i1 to i32
    %cond3A = arith.constant 0 : i32
    %cond3A_30 = arith.cmpi ne, %convert_element_type3A, %cond3A : i32
    scf.if %cond3A_30 {
      %swap3A_31 = arith.constant 0 : index
      %swap3A_32 = arith.constant 0 : index
      %swap3A_33 = vector.load %arg4[%swap3A_31, %swap3A_32] : memref<8192x128xf32, #tpu.memory_space<vmem>>, vector<8192x32xf32>
      tpu.vector_store %arg4[%swap3A_31, %swap3A_32], %get3A_4 {strides = array<i32>} : memref<8192x128xf32, #tpu.memory_space<vmem>>, vector<8192x32xf32>,
    } else {
    }
    return
  }
  func.func @transform_0(%arg0: i32) -> (i32, i32) {
    %c0_i32 = arith.constant 0 : i32
    %c0_i32_0 = arith.constant 0 : i32
    return %arg0, %c0_i32 : i32, i32
  }
  func.func @transform_1(%arg0: i32) -> (i32, i32) {
    %c0_i32 = arith.constant 0 : i32
    %c0_i32_0 = arith.constant 0 : i32
    %c0_i32_1 = arith.constant 0 : i32
    return %c0_i32, %c0_i32_0 : i32, i32
  }
  func.func @transform_2(%arg0: i32) -> (i32, i32, i32) {
    %c0_i32 = arith.constant 0 : i32
    %c0_i32_0 = arith.constant 0 : i32
    %c0_i32_1 = arith.constant 0 : i32
    return %arg0, %c0_i32, %c0_i32_0 : i32, i32, i32
  }
  func.func @transform_3(%arg0: i32) -> (i32, i32) {
    %c0_i32 = arith.constant 0 : i32
    %c0_i32_0 = arith.constant 0 : i32
    %c0_i32_1 = arith.constant 0 : i32
    return %c0_i32, %c0_i32_0 : i32, i32
  }
}

module attributes {stable_mosaic.version = 14 : i64} {
  func.func @_stats_body(%arg0: memref<4096x32xf32, #tpu.memory_space<vmem>>, %arg1: memref<8192x32xf32, #tpu.memory_space<vmem>>, %arg2: memref<4096x32xf32, #tpu.memory_space<vmem>>, %arg3: memref<2x8192xf32, #tpu.memory_space<vmem>>, %arg4: memref<1x1xf32, #tpu.memory_space<vmem>>, %arg5: memref<1x1xf32, #tpu.memory_space<vmem>>, %arg6: memref<1x1xf32, #tpu.memory_space<vmem>>) attributes {dimension_semantics = [], scalar_prefetch = 0 : i64, scratch_operands = 0 : i64, tpu.core_type = #tpu.core_type<tc>} {
    %get3A = arith.constant 0 : index
    %get3A_0 = arith.constant 0 : index
    %get3A_1 = vector.load %arg0[%get3A, %get3A_0] : memref<4096x32xf32, #tpu.memory_space<vmem>>, vector<4096x32xf32>
    %get3A_2 = arith.constant 0 : index
    %get3A_3 = arith.constant 0 : index
    %get3A_4 = vector.load %arg1[%get3A_2, %get3A_3] : memref<8192x32xf32, #tpu.memory_space<vmem>>, vector<8192x32xf32>
    %get3A_5 = arith.constant 0 : index
    %get3A_6 = arith.constant 0 : index
    %get3A_7 = vector.load %arg2[%get3A_5, %get3A_6] : memref<4096x32xf32, #tpu.memory_space<vmem>>, vector<4096x32xf32>
    %sub3A = arith.subf %get3A_7, %get3A_1 : vector<4096x32xf32>
    %mul3A = arith.mulf %sub3A, %sub3A : vector<4096x32xf32>
    %reduce_sum3A = vector.shape_cast %mul3A : vector<4096x32xf32> to vector<1x4096x32xf32>
    %reduce_sum3A_8 = arith.constant dense<0.000000e+00> : vector<1xf32>
    %reduce_sum3A_9 = vector.multi_reduction <add>, %reduce_sum3A, %reduce_sum3A_8 [1, 2] : vector<1x4096x32xf32> to vector<1xf32>
    %reduce_sum3A_10 = vector.shape_cast %reduce_sum3A_9 : vector<1xf32> to vector<1x1x1xf32>
    %reduce_sum3A_11 = vector.extract %reduce_sum3A_10[0, 0, 0] : f32 from vector<1x1x1xf32>
    %mul3A_12 = arith.constant 7.62939453E-6 : f32
    %mul3A_13 = arith.mulf %reduce_sum3A_11, %mul3A_12 : f32
    %mul3A_14 = arith.constant 2.500000e-01 : f32
    %mul3A_15 = arith.mulf %mul3A_14, %mul3A_13 : f32
    %add3A = arith.addf %mul3A_13, %mul3A_15 : f32
    %reshape3A = vector.broadcast %add3A : f32 to vector<1x1xf32>
    %swap3A = arith.constant 0 : index
    %swap3A_16 = arith.constant 0 : index
    %swap3A_17 = vector.load %arg4[%swap3A, %swap3A_16] : memref<1x1xf32, #tpu.memory_space<vmem>>, vector<1x1xf32>
    tpu.vector_store %arg4[%swap3A, %swap3A_16], %reshape3A {strides = array<i32>} : memref<1x1xf32, #tpu.memory_space<vmem>>, vector<1x1xf32>,
    %mul3A_18 = arith.mulf %get3A_1, %get3A_1 : vector<4096x32xf32>
    %reduce_sum3A_19 = vector.shape_cast %mul3A_18 : vector<4096x32xf32> to vector<1x4096x32xf32>
    %reduce_sum3A_20 = arith.constant dense<0.000000e+00> : vector<1xf32>
    %reduce_sum3A_21 = vector.multi_reduction <add>, %reduce_sum3A_19, %reduce_sum3A_20 [1, 2] : vector<1x4096x32xf32> to vector<1xf32>
    %reduce_sum3A_22 = vector.shape_cast %reduce_sum3A_21 : vector<1xf32> to vector<1x1x1xf32>
    %reduce_sum3A_23 = vector.extract %reduce_sum3A_22[0, 0, 0] : f32 from vector<1x1x1xf32>
    %mul3A_24 = arith.mulf %get3A_4, %get3A_4 : vector<8192x32xf32>
    %reduce_sum3A_25 = vector.shape_cast %mul3A_24 : vector<8192x32xf32> to vector<1x8192x32xf32>
    %reduce_sum3A_26 = arith.constant dense<0.000000e+00> : vector<1xf32>
    %reduce_sum3A_27 = vector.multi_reduction <add>, %reduce_sum3A_25, %reduce_sum3A_26 [1, 2] : vector<1x8192x32xf32> to vector<1xf32>
    %reduce_sum3A_28 = vector.shape_cast %reduce_sum3A_27 : vector<1xf32> to vector<1x1x1xf32>
    %reduce_sum3A_29 = vector.extract %reduce_sum3A_28[0, 0, 0] : f32 from vector<1x1x1xf32>
    %reduce_sum3A_30 = arith.constant dense<0.000000e+00> : vector<32xf32>
    %reduce_sum3A_31 = vector.multi_reduction <add>, %get3A_1, %reduce_sum3A_30 [0] : vector<4096x32xf32> to vector<32xf32>
    %reduce_sum3A_32 = arith.constant dense<0.000000e+00> : vector<32xf32>
    %reduce_sum3A_33 = vector.multi_reduction <add>, %get3A_4, %reduce_sum3A_32 [0] : vector<8192x32xf32> to vector<32xf32>
    %mul3A_34 = arith.constant 2.44140625E-4 : f32
    %mul3A_35 = arith.mulf %reduce_sum3A_23, %mul3A_34 : f32
    %mul3A_36 = arith.constant 1.22070313E-4 : f32
    %mul3A_37 = arith.mulf %reduce_sum3A_29, %mul3A_36 : f32
    %add3A_38 = arith.addf %mul3A_35, %mul3A_37 : f32
    %mul3A_39 = arith.mulf %reduce_sum3A_31, %reduce_sum3A_33 : vector<32xf32>
    %reduce_sum3A_40 = vector.shape_cast %mul3A_39 : vector<32xf32> to vector<1x32xf32>
    %reduce_sum3A_41 = arith.constant dense<0.000000e+00> : vector<1xf32>
    %reduce_sum3A_42 = vector.multi_reduction <add>, %reduce_sum3A_40, %reduce_sum3A_41 [1] : vector<1x32xf32> to vector<1xf32>
    %reduce_sum3A_43 = vector.shape_cast %reduce_sum3A_42 : vector<1xf32> to vector<1x1xf32>
    %reduce_sum3A_44 = vector.extract %reduce_sum3A_43[0, 0] : f32 from vector<1x1xf32>
    %mul3A_45 = arith.constant 2.000000e+00 : f32
    %mul3A_46 = arith.mulf %mul3A_45, %reduce_sum3A_44 : f32
    %mul3A_47 = arith.constant 2.98023224E-8 : f32
    %mul3A_48 = arith.mulf %mul3A_46, %mul3A_47 : f32
    %sub3A_49 = arith.subf %add3A_38, %mul3A_48 : f32
    %reshape3A_50 = vector.broadcast %sub3A_49 : f32 to vector<1x1xf32>
    %swap3A_51 = arith.constant 0 : index
    %swap3A_52 = arith.constant 0 : index
    %swap3A_53 = vector.load %arg6[%swap3A_51, %swap3A_52] : memref<1x1xf32, #tpu.memory_space<vmem>>, vector<1x1xf32>
    tpu.vector_store %arg6[%swap3A_51, %swap3A_52], %reshape3A_50 {strides = array<i32>} : memref<1x1xf32, #tpu.memory_space<vmem>>, vector<1x1xf32>,
    %get3A_54 = arith.constant 0 : index
    %get3A_55 = arith.constant 0 : index
    %get3A_56 = vector.load %arg3[%get3A_54, %get3A_55] : memref<2x8192xf32, #tpu.memory_space<vmem>>, vector<1x8192xf32>
    %get3A_57 = arith.constant 1 : index
    %get3A_58 = arith.constant 0 : index
    %get3A_59 = vector.load %arg3[%get3A_57, %get3A_58] : memref<2x8192xf32, #tpu.memory_space<vmem>>, vector<1x8192xf32>
    %add3A_60 = arith.addf %get3A_56, %get3A_59 : vector<1x8192xf32>
    %mul3A_61 = arith.constant 2.44140625E-4 : f32
    %mul3A_62 = vector.broadcast %mul3A_61 : f32 to vector<1x8192xf32>
    %mul3A_63 = arith.mulf %add3A_60, %mul3A_62 : vector<1x8192xf32>
    %add3A_64 = arith.constant 1.000000e-10 : f32
    %add3A_65 = vector.broadcast %add3A_64 : f32 to vector<1x8192xf32>
    %add3A_66 = arith.addf %mul3A_63, %add3A_65 : vector<1x8192xf32>
    %log3A = math.log %add3A_66 : vector<1x8192xf32>
    %mul3A_67 = arith.mulf %mul3A_63, %log3A : vector<1x8192xf32>
    %reduce_sum3A_68 = vector.shape_cast %mul3A_67 : vector<1x8192xf32> to vector<1x1x8192xf32>
    %reduce_sum3A_69 = arith.constant dense<0.000000e+00> : vector<1xf32>
    %reduce_sum3A_70 = vector.multi_reduction <add>, %reduce_sum3A_68, %reduce_sum3A_69 [1, 2] : vector<1x1x8192xf32> to vector<1xf32>
    %reduce_sum3A_71 = vector.shape_cast %reduce_sum3A_70 : vector<1xf32> to vector<1x1x1xf32>
    %reduce_sum3A_72 = vector.extract %reduce_sum3A_71[0, 0, 0] : f32 from vector<1x1x1xf32>
    %neg3A = arith.constant 0.000000e+00 : f32
    %neg3A_73 = arith.subf %neg3A, %reduce_sum3A_72 : f32
    %exp3A = math.exp %neg3A_73 : f32
    %reshape3A_74 = vector.broadcast %exp3A : f32 to vector<1x1xf32>
    %swap3A_75 = arith.constant 0 : index
    %swap3A_76 = arith.constant 0 : index
    %swap3A_77 = vector.load %arg5[%swap3A_75, %swap3A_76] : memref<1x1xf32, #tpu.memory_space<vmem>>, vector<1x1xf32>
    tpu.vector_store %arg5[%swap3A_75, %swap3A_76], %reshape3A_74 {strides = array<i32>} : memref<1x1xf32, #tpu.memory_space<vmem>>, vector<1x1xf32>,
    return
  }
}

</mosaic_0001>

<sc_bundles>
// kernel: kernel.5.cloned.1.call-start
scs
__scs_entry_jumppad:
0x0: {  	(pc) =	sbr.rel $0x88, $3  }
0x1: {  	(tag) =	ssettag $0x0;
	lr =	simm.s32 $0x1  }
0x2: {  	[smem:$0x3F9F] =	sst lr;
	_ =	strace $0xD0000000  }
0x3: {  	_ = 	snop  }
0x4: {  	_ = 	snop  }
0x5: {  	_ = 	snop  }
0x6: {  	_ = 	snop  }
0x7: {  	_ = 	snop  }
__scs_overlays_trampoline_lowered:
0x8: {  	[smem:$0x3FAE] =	sst s0  }
0x9: {  	[smem:$0x3FAF] =	sst s1  }
0xa: {  	[smem:$0x3FB0] =	sst s2  }
0xb: {  	[smem:$0x3FB1] =	sst s3  }
0xc: {  	[smem:$0x3FB2] =	sst s4  }
0xd: {  	[smem:$0x3FB3] =	sst s5  }
0xe: {  	[smem:$0x3FB4] =	sst s6  }
0xf: {  	[smem:$0x3FB5] =	sst s7  }
0x10: {  	[smem:$0x3FB6] =	sst s8  }
0x11: {  	[smem:$0x3FB7] =	sst s9;
	s0 =	simm.s32 @!p0 $0x0  }
0x12: {  	s1 =	sld [smem:$0x3F9D];
	s0 =	simm.s32 @p0 $0x1  }
0x13: {  	[smem:$0x3FB8] =	sst s0;
	s0 =	simm.s32 @!p1 $0x0  }
0x14: {  	s2 =	sld [smem:$0x3F9C];
	s0 =	simm.s32 @p1 $0x1  }
0x15: {  	[smem:$0x3FB9] =	sst s0;
	s0 =	simm.s32 @!p2 $0x0  }
0x16: {  	s3 =	sld [smem:$0x3FDB];
	s0 =	simm.s32 @p2 $0x1  }
0x17: {  	s4 =	simm.s32 $0x1BF5;
	[smem:$0x3FBB] =	sst s0  }
0x18: {  	s0 =	sld [smem:$0x3F9E];
	_ =	swait.ge [sflag:s4], $0x0  }
0x19: {  	s7 =	sld [smem:$0x3F9F]  }
0x1a: {  	s8 =	sadd.s32 $0xFFFFE003, lr  }
0x1b: {  	s9 =	sadd.s32 $0xFFFFFEF7, lr;
	s5 =	simm.s32 $0xFFFFFFFF;
	p2 =	slt.u32 s8, $0xFFFFF086  }
0x1c: {  	p1 =	slt.u32 s9, $0xF7A;
	s5 =	simm.s32 @!p2 $0x0  }
0x1d: {  	s5 =	simm.s32 @p1 $0x1;
	p0 =	seq.s32 s7, s2  }
0x1e: {  	s7 =	smul.u32 @!p0 $0xF7A, s2;
	p2 =	seq.s32 @!p0 s5, $0x0  }
0x1f: {  	s9 =	smul.u32 $0xF7A, s1;
	s8 =	simm.s32 @!p0 $0x1BF5;
	p2 =	por !p2, p0  }
0x20: {  	[sflag:s8] =	ssyncset.s32 @!p0 $0xFFFFF086;
	s6 =	sadd.s32 @!p0 s3, s7;
	s7 =	simm.s32 @!p0 $0x108  }
0x21: {  	s3 =	sadd.s32 s3, s9;
	s6 =	sadd.s32 @!p0 $0x88, s6;
	s7 =	simm.s32 @p2 $0x1082  }
0x22: {  	[simem:s7], [sflag:s8] =	dma.local @!p0 [hbm:s6], $0xF7A  }
0x23: {  	s9 =	sor.u32 $0xD0000000, s2;
	s6 =	simm.s32 $0x108;
	_ =	swait.ge @!p0 [sflag:s8], $0x0  }
0x24: {  	s3 =	sadd.s32 $0x88, s3;
	s6 =	simm.s32 @!p1 $0x1082;
	[sflag:s4] =	ssyncset.s32 $0xFFFFF086  }
0x25: {  	[simem:s6], [sflag:s4] =	dma.local [hbm:s3], $0xF7A  }
0x26: {  	[smem:$0x3F9F] =	sst s1;
	(tag) =	ssettag s2;
	_ =	strace s9  }
0x27: {  	s1 =	sld [smem:$0x3FAF]  }
0x28: {  	s2 =	sld [smem:$0x3FB0]  }
0x29: {  	s4 =	sld [smem:$0x3FB2]  }
0x2a: {  	p0 =	seq.s32 s5, $0x0;
	s5 =	sld [smem:$0x3FB3]  }
0x2b: {  	s6 =	sld [smem:$0x3FB4]  }
0x2c: {  	s7 =	sld [smem:$0x3FB5]  }
0x2d: {  	s3 =	simm.s32 $0x108;
	s8 =	sld [smem:$0x3FB6]  }
0x2e: {  	s3 =	simm.s32 @!p0 $0x1082;
	s9 =	sld [smem:$0x3FB7]  }
0x2f: {  	lr =	sadd.s32 s0, s3;
	s0 =	sld [smem:$0x3FAE]  }
0x30: {  	s3 =	sld [smem:$0x3FB1]  }
0x31: {  	[smem:$0x3FBA] =	sst s10  }
0x32: {  	s10 =	sld [smem:$0x3FB8];
	_ =	sdelay $0x3  }
0x33: {  	p0 =	seq.s32 s10, $0x1;
	s10 =	sld [smem:$0x3FBA];
	_ =	sdelay $0x3  }
0x34: {  	[smem:$0x3FBA] =	sst s10  }
0x35: {  	s10 =	sld [smem:$0x3FB9];
	_ =	sdelay $0x3  }
0x36: {  	p1 =	seq.s32 s10, $0x1;
	s10 =	sld [smem:$0x3FBA];
	_ =	sdelay $0x3  }
0x37: {  	[smem:$0x3FBA] =	sst s10  }
0x38: {  	s10 =	sld [smem:$0x3FBB]  }
0x39: {  	_ = 	snop;
	(pc) =	sbr.ind lr, $3  }
0x3a: {  	_ = 	snop  }
0x3b: {  	_ = 	snop  }
0x3c: {  	p2 =	seq.s32 s10, $0x1;
	s10 =	sld [smem:$0x3FBA]  }
0x3d: {  	_ =	shalt  }
0x3e: {  	_ =	shalt  }
0x3f: {  	_ =	shalt  }
0x40: {  	_ =	shalt  }
0x41: {  	_ =	shalt  }
0x42: {  	_ =	shalt  }
0x43: {  	_ =	shalt  }
0x44: {  	_ =	shalt  }
0x45: {  	_ =	shalt  }
0x46: {  	_ =	shalt  }
0x47: {  	_ =	shalt  }
0x48: {  	_ =	shalt  }
0x49: {  	_ =	shalt  }
0x4a: {  	_ =	shalt  }
0x4b: {  	_ =	shalt  }
0x4c: {  	_ =	shalt  }
0x4d: {  	_ =	shalt  }
0x4e: {  	_ =	shalt  }
0x4f: {  	_ =	shalt  }
0x50: {  	_ =	shalt  }
0x51: {  	_ =	shalt  }
0x52: {  	_ =	shalt  }
0x53: {  	_ =	shalt  }
0x54: {  	_ =	shalt  }
0x55: {  	_ =	shalt  }
0x56: {  	_ =	shalt  }
0x57: {  	_ =	shalt  }
0x58: {  	_ =	shalt  }
0x59: {  	_ =	shalt  }
0x5a: {  	_ =	shalt  }
0x5b: {  	_ =	shalt  }
0x5c: {  	_ =	shalt  }
0x5d: {  	_ =	shalt  }
0x5e: {  	_ =	shalt  }
0x5f: {  	_ =	shalt  }
0x60: {  	_ =	shalt  }
0x61: {  	_ =	shalt  }
0x62: {  	_ =	shalt  }
0x63: {  	_ =	shalt  }
0x64: {  	_ =	shalt  }
0x65: {  	_ =	shalt  }
0x66: {  	_ =	shalt  }
0x67: {  	_ =	shalt  }
0x68: {  	_ =	shalt  }
0x69: {  	_ =	shalt  }
0x6a: {  	_ =	shalt  }
0x6b: {  	_ =	shalt  }
0x6c: {  	_ =	shalt  }
0x6d: {  	_ =	shalt  }
0x6e: {  	_ =	shalt  }
0x6f: {  	_ =	shalt  }
0x70: {  	_ =	shalt  }
0x71: {  	_ =	shalt  }
0x72: {  	_ =	shalt  }
0x73: {  	_ =	shalt  }
0x74: {  	_ =	shalt  }
0x75: {  	_ =	shalt  }
0x76: {  	_ =	shalt  }
0x77: {  	_ =	shalt  }
0x78: {  	_ =	shalt  }
0x79: {  	_ =	shalt  }
0x7a: {  	_ =	shalt  }
0x7b: {  	_ =	shalt  }
0x7c: {  	_ =	shalt  }
0x7d: {  	_ =	shalt  }
0x7e: {  	_ =	shalt  }
0x7f: {  	_ =	shalt  }
0x80: {  	_ =	shalt  }
0x81: {  	_ =	shalt  }
0x82: {  	_ =	shalt  }
0x83: {  	_ =	shalt  }
0x84: {  	_ =	shalt  }
0x85: {  	_ =	shalt  }
0x86: {  	_ =	shalt  }
0x87: {  	_ =	shalt  }
.Lfunc_end0:
.L_simem_size_0:
called_computation_lowered:
.L_overlay_start_0:
0x88: {  	s2 =	sld [smem:$0x3FD9]  }
0x89: {  	s3 =	sld [smem:$0x3FFE];
	_ =	sdelay $0x1  }
0x8a: {  	s1 =	srdreg.scid  }
0x8b: {  	s0 =	sand.u32 $0x1, s1  }
0x8c: {  	s14 =	sshll.u32 s0, $0xA;
	s2 =	sadd.s32 s3, s2  }
0x8d: {  	s2 =	sadd.s32 s2, s14  }
0x8e: {  	[smem:$0x3FC6] =	sst s2  }
0x8f: {  	_ = 	snop  }
0x90: {  	s2 =	sld [smem:$0x3FD0];
	_ =	sdelay $0x2  }
0x91: {  	s15 =	simm.s32 $0xA;
	s4 =	simm.s32 $0x10  }
0x92: {  	[smem:s4], [sflag:s15] =	dma.local [hbm:s2], $0x1  }
0x93: {  	_ =	swait.eq [sflag:s15], $0x1  }
0x94: {  	s16 =	sld [smem:$0x10];
	[sflag:s15] =	ssyncset.done $0x0  }
0x95: {  	s17 =	sld [smem:$0x13];
	[sflag:s15] =	ssyncadd.s32 $0xFFFFFFFF  }
0x96: {  	s18 =	sld [smem:$0x14];
	(tm) =	ssettm $0x1  }
0x97: {  	s5 =	sld [smem:$0x3FFB];
	_ =	sdelay $0x3  }
0x98: {  	_ =	strace s5  }
0x99: {  	s5 =	sld [smem:$0x3FFC];
	_ =	sdelay $0x3  }
0x9a: {  	_ =	strace s5  }
0x9b: {  	s5 =	sld [smem:$0x3FFD];
	_ =	sdelay $0x3  }
0x9c: {  	_ =	strace s5  }
0x9d: {  	_ =	strace $0x8FFFFFFF  }
0x9e: {  	s19 =	sld [smem:$0x3FDB];
	_ =	sdelay $0x1  }
0x9f: {  	s6 =	simm.s32 $_scs_section_size  }
0xa0: {  	s7 =	simm.s32 $_size__tile_overlayer_lowered;
	s8 =	simm.s32 $_tile_overlayer_lowered  }
0xa1: {  	s22 =	simm.s32 $0x1BFF;
	s21 =	sshll.u32 s8, $0x1;
	s5 =	sadd.s32 s6, s19  }
0xa2: {  	s9 =	simm.s32 $0x0;
	s20 =	sshll.u32 s7, $0x1;
	s7 =	sadd.s32 s21, s5  }
0xa3: {  	[timem:s9], [sflag:s22] =	dma.local [hbm:s7], s20  }
0xa4: {  	_ =	swait.ge [sflag:s22], s20  }
0xa5: {  	s6 =	ssub.s32 $0x0, s20;
	[sflag:s22] =	ssyncset.done $0x0  }
0xa6: {  	[sflag:s22] =	ssyncadd.s32 s6;
	_ =	sdelay $0x1  }
0xa7: {  	s23 =	simm.s32 $0x1B8B  }
0xa8: {  	_ =	swait.ge [sflag:s23], $0x1  }
0xa9: {  	[sflag:s23] =	ssyncset.done $0x0  }
0xaa: {  	s25 =	simm.s32 $0x1B8E;
	s24 =	sld [smem:$0x3FFE];
	[sflag:s23] =	ssyncadd.s32 $0xFFFFFFFF  }
0xab: {  	s26 =	simm.s32 $execute0_lowered;
	[smem:$0x3FD2] =	sst s25  }
0xac: {  	s7 =	sshll.u32 s26, $0x1;
	_ =	strace $0x80000046;
	[dreg:$0x1] =	wrdreg $0xFFFFFFFF  }
0xad: {  	s28 =	simm.s32 $_size_execute0_lowered;
	s5 =	sadd.s32 s5, s7;
	[dreg:$0x0] =	wrdreg $0x0  }
0xae: {  	s7 =	sshll.u32 s28, $0x1;
	[dreg:$0x2] =	wrdreg s5  }
0xaf: {  	[dreg:$0x3] =	wrdreg s7  }
0xb0: {  	[dreg:$0x4] =	wrdreg $0xC0  }
0xb1: {  	_ =	task [dreg:s9], $0x5FFFF  }
0xb2: {  	[dreg:$0x1] =	wrdreg $0xFFFFFFFF  }
0xb3: {  	[dreg:$0x0] =	wrdreg $0x60  }
0xb4: {  	[dreg:$0x2] =	wrdreg s24  }
0xb5: {  	[dreg:$0x3] =	wrdreg s17  }
0xb6: {  	[dreg:$0x4] =	wrdreg s16  }
0xb7: {  	[dreg:$0x5] =	wrdreg s18  }
0xb8: {  	[dreg:$0x6] =	wrdreg $0x81000  }
0xb9: {  	[dreg:$0x7] =	wrdreg $0x9  }
0xba: {  	_ =	task.clear_ibuf [dreg:s9], $0x8FFFF;
	_ =	strace $0x90000046  }
0xbb: {  	s29 =	simm.s32 $0x9;
	_ =	strace $0x80000048  }
0xbc: {  	_ =	swait.ge [sflag:s29], $0x1  }
0xbd: {  	[sflag:s29] =	ssyncadd.s32 $0xFFFFFFFF  }
0xbe: {  	_ =	strace $0x90000048  }
0xbf: {  	_ =	sfence  }
0xc0: {  	s30 =	sld [smem:$0x0];
	_ =	sdelay $0x2  }
0xc1: {  	s31 =	sshll.u32 s1, $0xD;
	s1 =	sshrl.u32 s1, $0x2  }
0xc2: {  	s3 =	sand.u32 $0x4000, s31;
	s1 =	sadd.s32 s1, s30  }
0xc3: {  	s0 =	sor.u32 s3, s0;
	s1 =	sshll.u32 s1, $0x11  }
0xc4: {  	s0 =	sor.u32 s1, s0  }
0xc5: {  	s0 =	sadd.s32 $0x8F2B, s0  }
0xc6: {  	[sflag:s0] =	ssyncadd.remote.s32 $0x1  }
0xc7: {  	_ =	sfence.sel $0xFFFF  }
0xc8: {  	[dreg:$0x0] =	wrdreg $0xFFFFFFFF;
	(pc) =	sbr.abs _section_cstart, $3  }
0xc9: {  	[dreg:$0x1] =	wrdreg $0xFFFFFFFF  }
0xca: {  	_ =	task.clear_ibuf [dreg:s9], $0x2FFFF;
	_ =	strace $0x9FFFFFFF  }
0xcb: {  	(tm) =	ssettm $0x7FFFFFFF  }
tec
execute0_lowered:
.L_overlay_start_1:
0x0: {  	(tag) =	ssettag $0x1  }
0x1: {  	s6 =	rddreg [dreg:$0x0]  }
0x2: {  	s7 =	rddreg [dreg:$0x1]  }
0x3: {  	s8 =	rddreg [dreg:$0x2]  }
0x4: {  	s1 =	rddreg [dreg:$0x3]  }
0x5: {  	s2 =	rddreg [dreg:$0x4];
	s3 =	srdreg.scid  }
0x6: {  	s0 =	rddreg [dreg:$0x5];
	s11 =	stileid.u32  }
0x7: {  	s16 =	simm.s32 $0x1;
	s17 =	simm.s32 $0x0;
	s9 =	sand.u32 $0x1, s3  }
0x8: {  	s3 =	simm.s32 $0x0;
	s4 =	sshll.u32 s11, $0x8;
	p0 =	sne.s32 s11, $0x0  }
0x9: {  	s11 =	simm.s32 $0x2;
	s5 =	sshll.u32 s9, $0x7;
	[smem:$0x7FF] =	sst s3  }
0xa: {  	s14 =	ssub.s32 $0x2, s9;
	s9 =	sshll.u32 s9, $0x4;
	s10 =	sor.u32 s5, s4  }
0xb: {  	_ =	strace $0x80000047;
	s4 =	sadd.s32 $0x1800, s6;
	s5 =	sadd.s32 $0x21800, s6  }
0xc: {  	s15 =	sshrl.u32 s14, $0x1;
	s9 =	sadd.s32 s9, s6;
	s12 =	sshll.u32 s10, $0x4  }
0xd: {  	s10 =	sshrl.u32 s10, $0x3;
	s14 =	ssub.s32 s14, s15;
	s9 =	sadd.s32 $0x31C00, s9  }
0xe: {  	s15 =	sshrl.u32 @!p0 s2, $0x3;
	s13 =	sadd.s32 s12, s6;
	s6 =	sadd.s32 s7, s10  }
0xf: {  	s7 =	sadd.s32 s8, s12;
	s10 =	smax.u32 s14, $0x1;
	s12 =	simm.s32 $0x80  }
0x10: {  	s14 =	simm.s32 $0x8080;
	s8 =	sadd.s32 $0x21C00, s13;
	s13 =	simm.s32 $0x4080  }
.LBB2_1:
0x11: {  	[tilespmem:s3], [sflag:$0x2] =	stream.linear.gather [hbm4b:s6+s3], $0x80, $0x38;
	[tilespmem:$0x8300] =	vst v63  }
0x12: {  	_ =	swait.ge [sflag:s11], $0x80  }
0x13: {  	[sflag:s11] =	ssyncset.done $0x0  }
0x14: {  	[sflag:s11] =	ssyncadd.s32 $0xFFFFFF80  }
0x15: {  	[tilespmem:s12], [sflag:$0x1] =	stream.indirect.gather [hbm4b:s4+s12], $0x80, s3, s12, $0xb8;
	[tilespmem:$0x8300] =	vst v63  }
0x16: {  	_ = 	snop  }
0x17: {  	[tilespmem:s13], [sflag:$0x2] =	stream.linear.gather [hbm4b:s7+s3], $0x4000, $0x38;
	[tilespmem:$0x8300] =	vst v63  }
0x18: {  	_ =	swait.ge [sflag:s11], $0x4000  }
0x19: {  	[sflag:s11] =	ssyncset.done $0x0  }
0x1a: {  	[sflag:s11] =	ssyncadd.s32 $0xFFFFC000  }
0x1b: {  	[tilespmem:s14], [sflag:$0x2] =	stream.linear.gather [hbm4b:s1+s3], $0x80, $0x38;
	[tilespmem:$0x8300] =	vst v63  }
0x1c: {  	_ =	swait.ge [sflag:s11], $0x80  }
0x1d: {  	[sflag:s11] =	ssyncset.done $0x0  }
0x1e: {  	s18 =	simm.s32 @!p0 $0x1C02;
	[sflag:s11] =	ssyncadd.s32 $0xFFFFFF80  }
0x1f: {  	[spmem:s15], [sflag:s18] =	dma.local @!p0 [hbm:s5], $0x400  }
0x20: {  	s18 =	simm.s32 @!p0 $0x2  }
0x21: {  	_ =	swait.ge @!p0 [sflag:s18], $0x400  }
0x22: {  	[sflag:s18] =	ssyncset.done @!p0 $0x0  }
0x23: {  	[sflag:s18] =	ssyncadd.s32 @!p0 $0xFFFFFC00  }
0x24: {  	_ =	swait.ge [sflag:s16], $0x4000  }
0x25: {  	[sflag:s16] =	ssyncset.done $0x0  }
0x26: {  	[sflag:s16] =	ssyncadd.s32 $0xFFFFC000  }
0x27: {  	[bflag:$0x0] =	sbarrier.arrive $0xFFFF  }
0x28: {  	[spmem:s2] =	stream.indirect.scatter.add.f32 [tilespmem:s14], [sflag:$0x2], $0x1, s3, s12, $0xb8;
	[tilespmem:$0x8300] =	vst v63  }
0x29: {  	_ =	swait.ge [sflag:s11], $0x80  }
0x2a: {  	[sflag:s11] =	ssyncset.done $0x0  }
0x2b: {  	s18 =	simm.s32 $0x0;
	[sflag:s11] =	ssyncadd.s32 $0xFFFFFF80  }
0x2c: {  	v0 =	vld [tilespmem:s18+$0x80]  }
0x2d: {  	v2 =	vld [tilespmem:s18+$0x90]  }
0x2e: {  	s19 =	simm.s32 $0x200;
	v1 =	vld [tilespmem:s18+$0x4080]  }
.LBB2_2:
0x2f: {  	p1 =	sne.s32 s19, $0xFE00;
	v3 =	vld [tilespmem:s18+$0x4090];
	_ =	sdelay $0x3  }
0x30: {  	v0 =	vsub.f32 v0, v1  }
.Ltmp0:
0x31: {  	v2 =	vsub.f32 v2, v3;
	(pc) =	sbr.rel @p1 .LBB2_2-.Ltmp0, $4  }
0x32: {  	s20 =	sshra.s32 s19, $0x2;
	v1 =	vadd.f32 v0, v1  }
0x33: {  	v0 =	vld [tilespmem:s20+$0x80];
	v3 =	vadd.f32 v2, v3  }
0x34: {  	v2 =	vld [tilespmem:s20+$0x90];
	[tilespmem:s18+$0x4080] =	vst v1  }
0x35: {  	s19 =	sadd.s32 $0x200, s19;
	v1 =	vld [tilespmem:s20+$0x4080];
	[tilespmem:s18+$0x4090] =	vst v3;
	s18 =	smov.u32 s20  }
0x36: {  	v3 =	vld [tilespmem:s18+$0x4090];
	_ =	sdelay $0x3  }
0x37: {  	v0 =	vsub.f32 v0, v1  }
0x38: {  	v2 =	vsub.f32 v2, v3  }
0x39: {  	v0 =	vadd.f32 v0, v1  }
0x3a: {  	v63 =	vadd.f32 v2, v3  }
0x3b: {  	[tilespmem:s18+$0x4080] =	vst v0  }
0x3c: {  	[tilespmem:s18+$0x4090] =	vst v63  }
0x3d: {  	[hbm4b:s8+s3] =	stream.linear.scatter [tilespmem:s13], [sflag:$0x2], $0x4000, $0x38;
	[tilespmem:$0x8300] =	vst v63  }
0x3e: {  	_ =	swait.ge [sflag:s11], $0x4000  }
0x3f: {  	s19 =	simm.s32 @!p0 $0x20;
	s20 =	simm.s32 @!p0 $0x10;
	[sflag:s11] =	ssyncset.done $0x0  }
0x40: {  	s21 =	simm.s32 @!p0 $0x1C02;
	s17 =	sadd.s32 $0x1, s17;
	[sflag:s11] =	ssyncadd.s32 $0xFFFFC000  }
0x41: {  	p1 =	sne.s32 s17, s10;
	s18 =	simm.s32 @!p0 $0x1;
	[bflag:$0x0] =	sbarrier.arrive $0xFFFF  }
0x42: {  	[hbm:s9@s19], [sflag:s21] =	dma.strided @!p0 [spmem:s15@s20], $0x400, s18, $0x10   }
.Ltmp1:
0x43: {  	_ = 	snop;
	(pc) =	sbr.rel @p1 .LBB2_1-.Ltmp1, $4  }
0x44: {  	s18 =	simm.s32 @!p0 $0x2  }
0x45: {  	_ =	swait.ge @!p0 [sflag:s18], $0x400  }
0x46: {  	[sflag:s18] =	ssyncset.done @!p0 $0x0  }
0x47: {  	[sflag:s18] =	ssyncadd.s32 @!p0 $0xFFFFFC00  }
0x48: {  	_ =	sfence.sel $0x180000  }
0x49: {  	[bflag:$0x0] =	sbarrier.arrive $0xFFFF  }
0x4a: {  	_ =	strace $0x90000047  }
0x4b: {  	s0 =	sadd.s32 @!p0 $0x100000, s0;
	[bflag:$0x2] =	sbarrier.arrive $0xFFFF  }
0x4c: {  	[sflag:s0] =	ssyncadd.tile.s32 @!p0 $0x1;
	_ =	shalt  }
.Lfunc_end2:
_tile_overlayer_lowered:
.L_overlay_start_2:
0x4d: {  	(tag) =	ssettag $0x2  }
0x4e: {  	s0 =	rddreg [dreg:$0x0];
	s2 =	stileid.u32  }
0x4f: {  	s1 =	rddreg [dreg:$0x1];
	p0 =	sne.s32 s2, $0x0  }
0x50: {  	s3 =	rddreg [dreg:$0x2];
	[bflag:$0x3] =	sbarrier.arrive $0xFFFF;
	s2 =	simm.s32 @!p0 $0x1C02  }
0x51: {  	[timem:s3], [sflag:s2] =	dma.local @!p0 [hbm:s0], s1  }
0x52: {  	s0 =	simm.s32 @!p0 $0x2  }
0x53: {  	_ =	swait.ge @!p0 [sflag:s0], s1  }
0x54: {  	s1 =	ssub.s32 @!p0 $0x0, s1;
	[sflag:s0] =	ssyncset.done @!p0 $0x0  }
0x55: {  	[sflag:s0] =	ssyncadd.s32 @!p0 s1  }
0x56: {  	[bflag:$0x3] =	sbarrier.arrive $0xFFFF  }
0x57: {  	_ =	shalt  }

</sc_bundles>
